<compile_context>
chip_gen: v7x
topology: tpu7x:2x2x1
jax: 0.10.2.dev20260603
libtpu: 0.0.44.dev20260713+nightly
codegen_flags: <defaults>
</compile_context>

<pallas_src>
import functools

import jax
import jax.numpy as jnp
from jax import lax
from jax.experimental import pallas as pl
from jax.experimental.pallas import tpu as pltpu
from jax.experimental.pallas import tpu_sc as plsc

NUM_FEATURES = 128
NUM_EDGES = 160000
NUM_NODES = 10000
ROWS = NUM_NODES + NUM_EDGES
BATCH = 4
TOTAL_ROWS = BATCH * ROWS
FILL_BLOCK = 17000

NC, NS = 2, 16
NW = NC * NS
N_IDX = 128
ROWS_PER_W = BATCH * N_IDX // NW
IDX_GROUPS = N_IDX // ROWS_PER_W


def _fill_body(out_ref):
    out_ref[...] = jnp.zeros_like(out_ref)


def _tc_fill():
    return pl.pallas_call(
        _fill_body,
        grid=(TOTAL_ROWS // FILL_BLOCK,),
        out_specs=pl.BlockSpec((FILL_BLOCK, NUM_FEATURES), lambda i: (i, 0)),
        out_shape=jax.ShapeDtypeStruct((TOTAL_ROWS, NUM_FEATURES), jnp.float32),
    )()


_sc_mesh = plsc.VectorSubcoreMesh(core_axis_name="c", subcore_axis_name="s")


@functools.partial(
    pl.kernel,
    out_type=(),
    mesh=_sc_mesh,
    scratch_types=[
        pltpu.VMEM((ROWS_PER_W,), jnp.int32),
        pltpu.VMEM((ROWS_PER_W, NUM_FEATURES), jnp.float32),
    ],
)
def _sc_scatter(out_ref, x_hbm, idx_hbm, idx_v, rows_v):
    wid = lax.axis_index("s") * NC + lax.axis_index("c")
    b = wid // IDX_GROUPS
    g = wid % IDX_GROUPS
    pltpu.sync_copy(idx_hbm.at[g], idx_v)
    pltpu.sync_copy(x_hbm.at[pl.ds(wid * ROWS_PER_W, ROWS_PER_W)], rows_v)
    idx_v[...] = idx_v[...] + (b * ROWS + NUM_EDGES)
    pltpu.sync_copy(rows_v, out_ref.at[idx_v])


def kernel(x, pivotal_nodes):
    bsz, n_idx, f = x.shape
    x_flat = x.reshape(bsz * n_idx, f)
    idx2 = pivotal_nodes.reshape(IDX_GROUPS, ROWS_PER_W)
    out_ref = jax.new_ref(_tc_fill())
    _sc_scatter(out_ref, x_flat, idx2)
    return out_ref[...].reshape(bsz, ROWS, f)

# --- scband reference (transcript-rebuilt; emitter-appended) ---
"""Pipeline reference for scband-graph-recovery-30245159699052 (READ-ONLY COPY).

The authoritative reference and input builder live on the scoring server;
editing this copy changes nothing except your own understanding.
"""

import jax, jax.numpy as jnp
import numpy as np

NUM_FEATURES = 128
NUM_EDGES = 160000
NUM_NODES = 10000


def setup_inputs(seed: int = 0) -> dict:
    key = jax.random.key(seed)
    x = jax.random.normal(key, (4, 128, NUM_FEATURES), dtype=jnp.float32)
    pivotal_nodes = jnp.arange(0, 128 * 64, 64, dtype=jnp.int32)
    return {"x": x, "pivotal_nodes": pivotal_nodes}


def reference(x, pivotal_nodes):
    # out = zeros[B, num_nodes + num_edges, num_features]
    # out[:, num_edges + pivotal_nodes, :] = x   (scatter-overwrite)
    out = jnp.zeros((x.shape[0], NUM_NODES + NUM_EDGES, NUM_FEATURES), dtype=x.dtype)
    out = out.at[:, NUM_EDGES + pivotal_nodes, :].set(x)
    return out

if __name__ == "__main__":
    import jax
    _d = setup_inputs()
    print(jax.jit(kernel)(*tuple(_d.values())))

</pallas_src>

<mosaic_0001>
#map = affine_map<(d0, d1) -> (0, 0)>
module attributes {stable_mosaic.version = 14 : i64} {
  func.func @new_body(%arg0: i32, %arg1: i32, %arg2: memref<680000x128xf32, #tpu.memory_space<hbm>>, %arg3: memref<512x128xf32, #tpu.memory_space<hbm>>, %arg4: memref<8x16xi32, #tpu.memory_space<hbm>>, %arg5: memref<680000x128xf32, #tpu.memory_space<hbm>>, %arg6: memref<16xi32, #tpu.memory_space<vmem>>, %arg7: memref<16x128xf32, #tpu.memory_space<vmem>>) attributes {dimension_semantics = [#tpu.dimension_semantics<core_parallel>, #tpu.dimension_semantics<subcore_parallel>], iteration_bounds = array<i64: 2, 16>, scalar_prefetch = 0 : i64, scratch_operands = 2 : i64, tpu.core_type = #tpu.core_type<sc_vector_subcore>, window_params = [{transform_indices = #map}, {transform_indices = #map}, {transform_indices = #map}, {transform_indices = #map}]} {
    %mul3A = arith.constant 2 : i32
    %mul3A_0 = arith.muli %arg1, %mul3A : i32
    %add3A = arith.addi %mul3A_0, %arg0 : i32
    %jit3A = arith.constant 8 : i32
    %div3A = arith.divsi %add3A, %jit3A : i32
    %sign3A = arith.constant 0 : i32
    %sign3A_1 = arith.cmpi sgt, %add3A, %sign3A : i32
    %sign3A_2 = arith.extui %sign3A_1 : i1 to i32
    %sign3A_3 = arith.constant 0 : i32
    %sign3A_4 = arith.cmpi slt, %add3A, %sign3A_3 : i32
    %sign3A_5 = arith.extui %sign3A_4 : i1 to i32
    %sign3A_6 = arith.subi %sign3A_2, %sign3A_5 : i32
    %sign3A_7 = arith.constant 0 : i32
    %sign3A_8 = arith.cmpi sgt, %jit3A, %sign3A_7 : i32
    %sign3A_9 = arith.extui %sign3A_8 : i1 to i32
    %sign3A_10 = arith.constant 0 : i32
    %sign3A_11 = arith.cmpi slt, %jit3A, %sign3A_10 : i32
    %sign3A_12 = arith.extui %sign3A_11 : i1 to i32
    %sign3A_13 = arith.subi %sign3A_9, %sign3A_12 : i32
    %ne3A = arith.cmpi ne, %sign3A_6, %sign3A_13 : i32
    %rem3A = arith.remsi %add3A, %jit3A : i32
    %ne3A_14 = arith.constant 0 : i32
    %ne3A_15 = arith.cmpi ne, %rem3A, %ne3A_14 : i32
    %and3A = arith.andi %ne3A, %ne3A_15 : i1
    %sub3A = arith.constant 1 : i32
    %sub3A_16 = arith.subi %div3A, %sub3A : i32
    %select_n3A = arith.select %and3A, %sub3A_16, %div3A : i32
    %jit3A_17 = arith.constant 8 : i32
    %eq3A = arith.constant 0 : i32
    %eq3A_18 = arith.cmpi eq, %jit3A_17, %eq3A : i32
    %jit3A_19 = arith.constant 1 : i32
    %select_n3A_20 = arith.select %eq3A_18, %jit3A_19, %jit3A_17 : i32
    %rem3A_21 = arith.remsi %add3A, %select_n3A_20 : i32
    %ne3A_22 = arith.constant 0 : i32
    %ne3A_23 = arith.cmpi ne, %rem3A_21, %ne3A_22 : i32
    %lt3A = arith.constant 0 : i32
    %lt3A_24 = arith.cmpi slt, %rem3A_21, %lt3A : i32
    %lt3A_25 = arith.constant 0 : i32
    %lt3A_26 = arith.cmpi slt, %select_n3A_20, %lt3A_25 : i32
    %ne3A_27 = arith.xori %lt3A_24, %lt3A_26 : i1
    %and3A_28 = arith.andi %ne3A_27, %ne3A_23 : i1
    %add3A_29 = arith.addi %rem3A_21, %select_n3A_20 : i32
    %select_n3A_30 = arith.select %and3A_28, %add3A_29, %rem3A_21 : i32
    "tpu.region"() ({
      %run_scoped3A = tpu.sem_alloc : memref<!tpu.dma_semaphore, #tpu.memory_space<semaphore_mem>>
      %dma_start3A = arith.constant 0 : i32
      %dma_start3A_44 = tpu.memref_slice %arg4[%select_n3A_30, %dma_start3A] : memref<8x16xi32, #tpu.memory_space<hbm>> -> memref<1x16xi32, #tpu.memory_space<hbm>>
      %dma_start3A_45 = tpu.memref_squeeze %dma_start3A_44 : memref<1x16xi32, #tpu.memory_space<hbm>> -> memref<16xi32, #tpu.memory_space<hbm>>
      %dma_start3A_46 = arith.constant 0 : i32
      %dma_start3A_47 = tpu.memref_slice %arg4[%select_n3A_30, %dma_start3A_46] : memref<8x16xi32, #tpu.memory_space<hbm>> -> memref<1x16xi32, #tpu.memory_space<hbm>>
      %dma_start3A_48 = tpu.memref_squeeze %dma_start3A_47 : memref<1x16xi32, #tpu.memory_space<hbm>> -> memref<16xi32, #tpu.memory_space<hbm>>
      tpu.enqueue_dma source(%dma_start3A_48 : memref<16xi32, #tpu.memory_space<hbm>>) target(%arg6 : memref<16xi32, #tpu.memory_space<vmem>>) target_semaphore(%run_scoped3A : memref<!tpu.dma_semaphore, #tpu.memory_space<semaphore_mem>>)
      %dma_wait3A = arith.constant 0 : i32
      %dma_wait3A_49 = tpu.memref_slice %arg4[%select_n3A_30, %dma_wait3A] : memref<8x16xi32, #tpu.memory_space<hbm>> -> memref<1x16xi32, #tpu.memory_space<hbm>>
      %dma_wait3A_50 = tpu.memref_squeeze %dma_wait3A_49 : memref<1x16xi32, #tpu.memory_space<hbm>> -> memref<16xi32, #tpu.memory_space<hbm>>
      %dma_wait3A_51 = arith.constant 0 : i32
      %dma_wait3A_52 = tpu.memref_slice %arg4[%select_n3A_30, %dma_wait3A_51] : memref<8x16xi32, #tpu.memory_space<hbm>> -> memref<1x16xi32, #tpu.memory_space<hbm>>
      %dma_wait3A_53 = tpu.memref_squeeze %dma_wait3A_52 : memref<1x16xi32, #tpu.memory_space<hbm>> -> memref<16xi32, #tpu.memory_space<hbm>>
      tpu.wait_dma2 semaphore(%run_scoped3A : memref<!tpu.dma_semaphore, #tpu.memory_space<semaphore_mem>>) src(%dma_wait3A_53 : memref<16xi32, #tpu.memory_space<hbm>>) dst(%arg6 : memref<16xi32, #tpu.memory_space<vmem>>)
      tpu.yield
    }) : () -> ()
    %mul3A_31 = arith.constant 16 : i32
    %mul3A_32 = arith.muli %add3A, %mul3A_31 : i32
    "tpu.region"() ({
      %run_scoped3A = tpu.sem_alloc : memref<!tpu.dma_semaphore, #tpu.memory_space<semaphore_mem>>
      %dma_start3A = arith.constant 0 : i32
      %dma_start3A_44 = tpu.memref_slice %arg3[%mul3A_32, %dma_start3A] : memref<512x128xf32, #tpu.memory_space<hbm>> -> memref<16x128xf32, #tpu.memory_space<hbm>>
      %dma_start3A_45 = arith.constant 0 : i32
      %dma_start3A_46 = tpu.memref_slice %arg3[%mul3A_32, %dma_start3A_45] : memref<512x128xf32, #tpu.memory_space<hbm>> -> memref<16x128xf32, #tpu.memory_space<hbm>>
      tpu.enqueue_dma source(%dma_start3A_46 : memref<16x128xf32, #tpu.memory_space<hbm>>) target(%arg7 : memref<16x128xf32, #tpu.memory_space<vmem>>) target_semaphore(%run_scoped3A : memref<!tpu.dma_semaphore, #tpu.memory_space<semaphore_mem>>)
      %dma_wait3A = arith.constant 0 : i32
      %dma_wait3A_47 = tpu.memref_slice %arg3[%mul3A_32, %dma_wait3A] : memref<512x128xf32, #tpu.memory_space<hbm>> -> memref<16x128xf32, #tpu.memory_space<hbm>>
      %dma_wait3A_48 = arith.constant 0 : i32
      %dma_wait3A_49 = tpu.memref_slice %arg3[%mul3A_32, %dma_wait3A_48] : memref<512x128xf32, #tpu.memory_space<hbm>> -> memref<16x128xf32, #tpu.memory_space<hbm>>
      tpu.wait_dma2 semaphore(%run_scoped3A : memref<!tpu.dma_semaphore, #tpu.memory_space<semaphore_mem>>) src(%dma_wait3A_49 : memref<16x128xf32, #tpu.memory_space<hbm>>) dst(%arg7 : memref<16x128xf32, #tpu.memory_space<vmem>>)
      tpu.yield
    }) : () -> ()
    %get3A = arith.constant 0 : index
    %get3A_33 = tpu.vector_load %arg6[%get3A] {strides = array<i32>} : memref<16xi32, #tpu.memory_space<vmem>>, vector<16xi32>,
    %get3A_34 = vector.shape_cast %get3A_33 : vector<16xi32> to vector<16xi32>
    %mul3A_35 = arith.constant 170000 : i32
    %mul3A_36 = arith.muli %select_n3A, %mul3A_35 : i32
    %add3A_37 = arith.constant 160000 : i32
    %add3A_38 = arith.addi %mul3A_36, %add3A_37 : i32
    %add3A_39 = vector.broadcast %add3A_38 : i32 to vector<16xi32>
    %add3A_40 = arith.addi %get3A_34, %add3A_39 : vector<16xi32>
    %swap3A = arith.constant 0 : index
    %swap3A_41 = tpu.vector_load %arg6[%swap3A] {strides = array<i32>} : memref<16xi32, #tpu.memory_space<vmem>>, vector<16xi32>,
    %swap3A_42 = vector.shape_cast %swap3A_41 : vector<16xi32> to vector<16xi32>
    %swap3A_43 = vector.shape_cast %add3A_40 : vector<16xi32> to vector<16xi32>
    tpu.vector_store %arg6[%swap3A], %swap3A_43 {strides = array<i32>} : memref<16xi32, #tpu.memory_space<vmem>>, vector<16xi32>,
    "tpu.region"() ({
      %run_scoped3A = tpu.sem_alloc : memref<!tpu.dma_semaphore, #tpu.memory_space<semaphore_mem>>
      %dma_start3A = arith.constant 0 : i32
      %dma_start3A_44 = arith.constant 0 : i32
      %dma_start3A_45 = tpu.memref_slice %arg2[%dma_start3A, %dma_start3A_44] : memref<680000x128xf32, #tpu.memory_space<hbm>> -> memref<680000x128xf32, #tpu.memory_space<hbm>>
      tpu.enqueue_indirect_dma source(%arg7 : memref<16x128xf32, #tpu.memory_space<vmem>>) target(%dma_start3A_45 : memref<680000x128xf32, #tpu.memory_space<hbm>>) offsets(%arg6 : memref<16xi32, #tpu.memory_space<vmem>>) semaphore(%run_scoped3A : memref<!tpu.dma_semaphore, #tpu.memory_space<semaphore_mem>>)
      %dma_wait3A = arith.constant 0 : i32
      %dma_wait3A_46 = arith.constant 0 : i32
      %dma_wait3A_47 = tpu.memref_slice %arg2[%dma_wait3A, %dma_wait3A_46] : memref<680000x128xf32, #tpu.memory_space<hbm>> -> memref<680000x128xf32, #tpu.memory_space<hbm>>
      tpu.wait_indirect_dma semaphore(%run_scoped3A : memref<!tpu.dma_semaphore, #tpu.memory_space<semaphore_mem>>) src(%arg7 : memref<16x128xf32, #tpu.memory_space<vmem>>) dst(%dma_wait3A_47 : memref<680000x128xf32, #tpu.memory_space<hbm>>)
      tpu.yield
    }) : () -> ()
    return
  }
}

module attributes {stable_mosaic.version = 14 : i64} {
  func.func @_fill_body(%arg0: i32, %arg1: memref<17000x128xf32, #tpu.memory_space<vmem>>) attributes {dimension_semantics = [#tpu.dimension_semantics<arbitrary>], iteration_bounds = array<i64: 40>, scalar_prefetch = 0 : i64, scratch_operands = 0 : i64, tpu.core_type = #tpu.core_type<tc>, window_params = [{transform_indices = @transform_0, window_bounds = array<i64: 17000, 128>}]} {
    %broadcast_in_dim3A = arith.constant 0.000000e+00 : f32
    %broadcast_in_dim3A_0 = vector.broadcast %broadcast_in_dim3A : f32 to vector<17000x128xf32>
    %swap3A = arith.constant 0 : index
    %swap3A_1 = arith.constant 0 : index
    %swap3A_2 = vector.load %arg1[%swap3A, %swap3A_1] : memref<17000x128xf32, #tpu.memory_space<vmem>>, vector<17000x128xf32>
    tpu.vector_store %arg1[%swap3A, %swap3A_1], %broadcast_in_dim3A_0 {strides = array<i32>} : memref<17000x128xf32, #tpu.memory_space<vmem>>, vector<17000x128xf32>,
    return
  }
  func.func @transform_0(%arg0: i32) -> (i32, i32) {
    %c0_i32 = arith.constant 0 : i32
    %c0_i32_0 = arith.constant 0 : i32
    return %arg0, %c0_i32 : i32, i32
  }
}

</mosaic_0001>

<sc_bundles>
// kernel: kernel.4.cloned.1.call-start
scs
__scs_entry_jumppad:
0x0: {  	(pc) =	sbr.rel $0x88, $3  }
0x1: {  	(tag) =	ssettag $0x0;
	lr =	simm.s32 $0x1  }
0x2: {  	[smem:$0x3F9F] =	sst lr;
	_ =	strace $0xD0000000  }
0x3: {  	_ = 	snop  }
0x4: {  	_ = 	snop  }
0x5: {  	_ = 	snop  }
0x6: {  	_ = 	snop  }
0x7: {  	_ = 	snop  }
__scs_overlays_trampoline_lowered:
0x8: {  	[smem:$0x3FAE] =	sst s0  }
0x9: {  	[smem:$0x3FAF] =	sst s1  }
0xa: {  	[smem:$0x3FB0] =	sst s2  }
0xb: {  	[smem:$0x3FB1] =	sst s3  }
0xc: {  	[smem:$0x3FB2] =	sst s4  }
0xd: {  	[smem:$0x3FB3] =	sst s5  }
0xe: {  	[smem:$0x3FB4] =	sst s6  }
0xf: {  	[smem:$0x3FB5] =	sst s7  }
0x10: {  	[smem:$0x3FB6] =	sst s8  }
0x11: {  	[smem:$0x3FB7] =	sst s9;
	s0 =	simm.s32 @!p0 $0x0  }
0x12: {  	s1 =	sld [smem:$0x3F9D];
	s0 =	simm.s32 @p0 $0x1  }
0x13: {  	[smem:$0x3FB8] =	sst s0;
	s0 =	simm.s32 @!p1 $0x0  }
0x14: {  	s2 =	sld [smem:$0x3F9C];
	s0 =	simm.s32 @p1 $0x1  }
0x15: {  	[smem:$0x3FB9] =	sst s0;
	s0 =	simm.s32 @!p2 $0x0  }
0x16: {  	s3 =	sld [smem:$0x3FDB];
	s0 =	simm.s32 @p2 $0x1  }
0x17: {  	s4 =	simm.s32 $0x1BF5;
	[smem:$0x3FBB] =	sst s0  }
0x18: {  	s0 =	sld [smem:$0x3F9E];
	_ =	swait.ge [sflag:s4], $0x0  }
0x19: {  	s7 =	sld [smem:$0x3F9F]  }
0x1a: {  	s8 =	sadd.s32 $0xFFFFE003, lr  }
0x1b: {  	s9 =	sadd.s32 $0xFFFFFEF7, lr;
	s5 =	simm.s32 $0xFFFFFFFF;
	p2 =	slt.u32 s8, $0xFFFFF086  }
0x1c: {  	p1 =	slt.u32 s9, $0xF7A;
	s5 =	simm.s32 @!p2 $0x0  }
0x1d: {  	s5 =	simm.s32 @p1 $0x1;
	p0 =	seq.s32 s7, s2  }
0x1e: {  	s7 =	smul.u32 @!p0 $0xF7A, s2;
	p2 =	seq.s32 @!p0 s5, $0x0  }
0x1f: {  	s9 =	smul.u32 $0xF7A, s1;
	s8 =	simm.s32 @!p0 $0x1BF5;
	p2 =	por !p2, p0  }
0x20: {  	[sflag:s8] =	ssyncset.s32 @!p0 $0xFFFFF086;
	s6 =	sadd.s32 @!p0 s3, s7;
	s7 =	simm.s32 @!p0 $0x108  }
0x21: {  	s3 =	sadd.s32 s3, s9;
	s6 =	sadd.s32 @!p0 $0x88, s6;
	s7 =	simm.s32 @p2 $0x1082  }
0x22: {  	[simem:s7], [sflag:s8] =	dma.local @!p0 [hbm:s6], $0xF7A  }
0x23: {  	s9 =	sor.u32 $0xD0000000, s2;
	s6 =	simm.s32 $0x108;
	_ =	swait.ge @!p0 [sflag:s8], $0x0  }
0x24: {  	s3 =	sadd.s32 $0x88, s3;
	s6 =	simm.s32 @!p1 $0x1082;
	[sflag:s4] =	ssyncset.s32 $0xFFFFF086  }
0x25: {  	[simem:s6], [sflag:s4] =	dma.local [hbm:s3], $0xF7A  }
0x26: {  	[smem:$0x3F9F] =	sst s1;
	(tag) =	ssettag s2;
	_ =	strace s9  }
0x27: {  	s1 =	sld [smem:$0x3FAF]  }
0x28: {  	s2 =	sld [smem:$0x3FB0]  }
0x29: {  	s4 =	sld [smem:$0x3FB2]  }
0x2a: {  	p0 =	seq.s32 s5, $0x0;
	s5 =	sld [smem:$0x3FB3]  }
0x2b: {  	s6 =	sld [smem:$0x3FB4]  }
0x2c: {  	s7 =	sld [smem:$0x3FB5]  }
0x2d: {  	s3 =	simm.s32 $0x108;
	s8 =	sld [smem:$0x3FB6]  }
0x2e: {  	s3 =	simm.s32 @!p0 $0x1082;
	s9 =	sld [smem:$0x3FB7]  }
0x2f: {  	lr =	sadd.s32 s0, s3;
	s0 =	sld [smem:$0x3FAE]  }
0x30: {  	s3 =	sld [smem:$0x3FB1]  }
0x31: {  	[smem:$0x3FBA] =	sst s10  }
0x32: {  	s10 =	sld [smem:$0x3FB8];
	_ =	sdelay $0x3  }
0x33: {  	p0 =	seq.s32 s10, $0x1;
	s10 =	sld [smem:$0x3FBA];
	_ =	sdelay $0x3  }
0x34: {  	[smem:$0x3FBA] =	sst s10  }
0x35: {  	s10 =	sld [smem:$0x3FB9];
	_ =	sdelay $0x3  }
0x36: {  	p1 =	seq.s32 s10, $0x1;
	s10 =	sld [smem:$0x3FBA];
	_ =	sdelay $0x3  }
0x37: {  	[smem:$0x3FBA] =	sst s10  }
0x38: {  	s10 =	sld [smem:$0x3FBB]  }
0x39: {  	_ = 	snop;
	(pc) =	sbr.ind lr, $3  }
0x3a: {  	_ = 	snop  }
0x3b: {  	_ = 	snop  }
0x3c: {  	p2 =	seq.s32 s10, $0x1;
	s10 =	sld [smem:$0x3FBA]  }
0x3d: {  	_ =	shalt  }
0x3e: {  	_ =	shalt  }
0x3f: {  	_ =	shalt  }
0x40: {  	_ =	shalt  }
0x41: {  	_ =	shalt  }
0x42: {  	_ =	shalt  }
0x43: {  	_ =	shalt  }
0x44: {  	_ =	shalt  }
0x45: {  	_ =	shalt  }
0x46: {  	_ =	shalt  }
0x47: {  	_ =	shalt  }
0x48: {  	_ =	shalt  }
0x49: {  	_ =	shalt  }
0x4a: {  	_ =	shalt  }
0x4b: {  	_ =	shalt  }
0x4c: {  	_ =	shalt  }
0x4d: {  	_ =	shalt  }
0x4e: {  	_ =	shalt  }
0x4f: {  	_ =	shalt  }
0x50: {  	_ =	shalt  }
0x51: {  	_ =	shalt  }
0x52: {  	_ =	shalt  }
0x53: {  	_ =	shalt  }
0x54: {  	_ =	shalt  }
0x55: {  	_ =	shalt  }
0x56: {  	_ =	shalt  }
0x57: {  	_ =	shalt  }
0x58: {  	_ =	shalt  }
0x59: {  	_ =	shalt  }
0x5a: {  	_ =	shalt  }
0x5b: {  	_ =	shalt  }
0x5c: {  	_ =	shalt  }
0x5d: {  	_ =	shalt  }
0x5e: {  	_ =	shalt  }
0x5f: {  	_ =	shalt  }
0x60: {  	_ =	shalt  }
0x61: {  	_ =	shalt  }
0x62: {  	_ =	shalt  }
0x63: {  	_ =	shalt  }
0x64: {  	_ =	shalt  }
0x65: {  	_ =	shalt  }
0x66: {  	_ =	shalt  }
0x67: {  	_ =	shalt  }
0x68: {  	_ =	shalt  }
0x69: {  	_ =	shalt  }
0x6a: {  	_ =	shalt  }
0x6b: {  	_ =	shalt  }
0x6c: {  	_ =	shalt  }
0x6d: {  	_ =	shalt  }
0x6e: {  	_ =	shalt  }
0x6f: {  	_ =	shalt  }
0x70: {  	_ =	shalt  }
0x71: {  	_ =	shalt  }
0x72: {  	_ =	shalt  }
0x73: {  	_ =	shalt  }
0x74: {  	_ =	shalt  }
0x75: {  	_ =	shalt  }
0x76: {  	_ =	shalt  }
0x77: {  	_ =	shalt  }
0x78: {  	_ =	shalt  }
0x79: {  	_ =	shalt  }
0x7a: {  	_ =	shalt  }
0x7b: {  	_ =	shalt  }
0x7c: {  	_ =	shalt  }
0x7d: {  	_ =	shalt  }
0x7e: {  	_ =	shalt  }
0x7f: {  	_ =	shalt  }
0x80: {  	_ =	shalt  }
0x81: {  	_ =	shalt  }
0x82: {  	_ =	shalt  }
0x83: {  	_ =	shalt  }
0x84: {  	_ =	shalt  }
0x85: {  	_ =	shalt  }
0x86: {  	_ =	shalt  }
0x87: {  	_ =	shalt  }
.Lfunc_end0:
.L_simem_size_0:
called_computation_lowered:
.L_overlay_start_0:
0x88: {  	s2 =	sld [smem:$0x3FD9]  }
0x89: {  	s3 =	sld [smem:$0x3FFE];
	_ =	sdelay $0x1  }
0x8a: {  	s1 =	srdreg.scid  }
0x8b: {  	s0 =	sand.u32 $0x1, s1  }
0x8c: {  	s17 =	sshll.u32 s0, $0xA;
	s2 =	sadd.s32 s3, s2  }
0x8d: {  	s2 =	sadd.s32 s2, s17  }
0x8e: {  	[smem:$0x3FC6] =	sst s2  }
0x8f: {  	_ = 	snop  }
0x90: {  	s2 =	sld [smem:$0x3FC9]  }
0x91: {  	s18 =	sld [smem:$0x3FD0];
	(tm) =	ssettm $0x1  }
0x92: {  	s4 =	sld [smem:$0x3FFB];
	_ =	sdelay $0x3  }
0x93: {  	_ =	strace s4  }
0x94: {  	s4 =	sld [smem:$0x3FFC];
	_ =	sdelay $0x3  }
0x95: {  	_ =	strace s4  }
0x96: {  	s4 =	sld [smem:$0x3FFD];
	_ =	sdelay $0x3  }
0x97: {  	_ =	strace s4  }
0x98: {  	_ =	strace $0x8FFFFFFF  }
0x99: {  	s19 =	sld [smem:$0x3FDB];
	_ =	sdelay $0x1  }
0x9a: {  	s5 =	simm.s32 $_scs_section_size  }
0x9b: {  	s6 =	simm.s32 $_size__tile_overlayer_lowered;
	s7 =	simm.s32 $_tile_overlayer_lowered  }
0x9c: {  	s22 =	simm.s32 $0x1BFF;
	s21 =	sshll.u32 s7, $0x1;
	s4 =	sadd.s32 s5, s19  }
0x9d: {  	s8 =	simm.s32 $0x0;
	s20 =	sshll.u32 s6, $0x1;
	s6 =	sadd.s32 s21, s4  }
0x9e: {  	[timem:s8], [sflag:s22] =	dma.local [hbm:s6], s20  }
0x9f: {  	_ =	swait.ge [sflag:s22], s20  }
0xa0: {  	s5 =	ssub.s32 $0x0, s20;
	[sflag:s22] =	ssyncset.done $0x0  }
0xa1: {  	[sflag:s22] =	ssyncadd.s32 s5;
	_ =	sdelay $0x1  }
0xa2: {  	s23 =	simm.s32 $0x1B8B  }
0xa3: {  	_ =	swait.ge [sflag:s23], $0x1  }
0xa4: {  	[sflag:s23] =	ssyncset.done $0x0  }
0xa5: {  	s25 =	simm.s32 $0x1B8E;
	s24 =	sld [smem:$0x3FFE];
	[sflag:s23] =	ssyncadd.s32 $0xFFFFFFFF  }
0xa6: {  	s26 =	simm.s32 $execute0_lowered;
	[smem:$0x3FD2] =	sst s25  }
0xa7: {  	s6 =	sshll.u32 s26, $0x1;
	_ =	strace $0x80000046;
	[dreg:$0x1] =	wrdreg $0xFFFFFFFF  }
0xa8: {  	s28 =	simm.s32 $_size_execute0_lowered;
	s4 =	sadd.s32 s4, s6;
	[dreg:$0x0] =	wrdreg $0x0  }
0xa9: {  	s6 =	sshll.u32 s28, $0x1;
	[dreg:$0x2] =	wrdreg s4  }
0xaa: {  	[dreg:$0x3] =	wrdreg s6  }
0xab: {  	[dreg:$0x4] =	wrdreg $0xC0  }
0xac: {  	_ =	task [dreg:s8], $0x5FFFF  }
0xad: {  	[dreg:$0x1] =	wrdreg $0xFFFFFFFF  }
0xae: {  	[dreg:$0x0] =	wrdreg $0x60  }
0xaf: {  	[dreg:$0x2] =	wrdreg s18  }
0xb0: {  	[dreg:$0x3] =	wrdreg s2  }
0xb1: {  	[dreg:$0x4] =	wrdreg s24  }
0xb2: {  	[dreg:$0x5] =	wrdreg $0x9  }
0xb3: {  	_ =	task.clear_ibuf [dreg:s8], $0x6FFFF;
	_ =	strace $0x90000046  }
0xb4: {  	s29 =	simm.s32 $0x9;
	_ =	strace $0x80000048  }
0xb5: {  	_ =	swait.ge [sflag:s29], $0x1  }
0xb6: {  	[sflag:s29] =	ssyncadd.s32 $0xFFFFFFFF  }
0xb7: {  	_ =	strace $0x90000048  }
0xb8: {  	_ =	sfence  }
0xb9: {  	s30 =	sld [smem:$0x0];
	_ =	sdelay $0x2  }
0xba: {  	s31 =	sshll.u32 s1, $0xD;
	s1 =	sshrl.u32 s1, $0x2  }
0xbb: {  	s3 =	sand.u32 $0x4000, s31;
	s1 =	sadd.s32 s1, s30  }
0xbc: {  	s0 =	sor.u32 s3, s0;
	s1 =	sshll.u32 s1, $0x11  }
0xbd: {  	s0 =	sor.u32 s1, s0  }
0xbe: {  	s0 =	sadd.s32 $0x8F2B, s0  }
0xbf: {  	[sflag:s0] =	ssyncadd.remote.s32 $0x1  }
0xc0: {  	_ =	sfence.sel $0xFFFF  }
0xc1: {  	[dreg:$0x0] =	wrdreg $0xFFFFFFFF;
	(pc) =	sbr.abs _section_cstart, $3  }
0xc2: {  	[dreg:$0x1] =	wrdreg $0xFFFFFFFF  }
0xc3: {  	_ =	task.clear_ibuf [dreg:s8], $0x2FFFF;
	_ =	strace $0x9FFFFFFF  }
0xc4: {  	(tm) =	ssettm $0x7FFFFFFF  }
0xc5: {  	_ =	shalt  }
tec
execute0_lowered:
.L_overlay_start_1:
0x0: {  	(tag) =	ssettag $0x1  }
0x1: {  	s1 =	srdreg.scid;
	s0 =	stileid.u32  }
0x2: {  	s2 =	rddreg [dreg:$0x0];
	s8 =	sand.u32 $0x1, s1;
	s30 =	sshll.u32 s0, $0x1  }
0x3: {  	s6 =	rddreg [dreg:$0x1];
	s7 =	sor.u32 s8, s30  }
0x4: {  	s4 =	rddreg [dreg:$0x2];
	s5 =	sshll.u32 s7, $0x4  }
0x5: {  	s3 =	simm.s32 $0x0;
	s1 =	rddreg [dreg:$0x3];
	s5 =	sand.u32 $0x70, s5  }
0x6: {  	[smem:$0x7FF] =	sst s3;
	s4 =	sadd.s32 s5, s4  }
0x7: {  	_ =	strace $0x80000047;
	s5 =	sadd.s32 $0x600, s4;
	s4 =	simm.s32 $0x1  }
0x8: {  	[tilespmem:s3], [sflag:$0x1] =	stream.linear.gather [hbm4b:s5+s3], $0x80, $0x38;
	[tilespmem:$0x880] =	vst v63  }
0x9: {  	_ =	swait.ge [sflag:s4], $0x80  }
0xa: {  	s7 =	sshll.u32 s7, $0x8;
	[sflag:s4] =	ssyncset.done $0x0  }
0xb: {  	s6 =	sadd.s32 s6, s7;
	s7 =	simm.s32 $0x80;
	[sflag:s4] =	ssyncadd.s32 $0xFFFFFF80  }
0xc: {  	[tilespmem:s7], [sflag:$0x1] =	stream.linear.gather [hbm4b:s6+s3], $0x800, $0x38;
	[tilespmem:$0x880] =	vst v63  }
0xd: {  	_ =	swait.ge [sflag:s4], $0x800  }
0xe: {  	[sflag:s4] =	ssyncset.done $0x0  }
0xf: {  	s9 =	sshrl.u32 s0, $0x2;
	[sflag:s4] =	ssyncadd.s32 $0xFFFFF800  }
0x10: {  	s9 =	smul.u32 $0x29810, s9;
	s8 =	ssub.s32 $0x2, s8;
	v1 =	vld [tilespmem:$0x0]  }
0x11: {  	s31 =	sshrl.u32 s8, $0x1  }
0x12: {  	s9 =	sadd.s32 $0x27100, s9;
	s8 =	ssub.s32 s8, s31  }
0x13: {  	v0 =	vmov s9;
	s9 =	smax.u32 s8, $0x1  }
0x14: {  	p0 =	sne.s32 s9, $0x1  }
.Ltmp0:
0x15: {  	v1 =	vadd.s32 v0, v1;
	(pc) =	sbr.rel @!p0 .LBB2_2-.Ltmp0, $4  }
0x16: {  	s8 =	simm.s32 $0x10;
	[tilespmem:$0x0] =	vst v1  }
0x17: {  	[hbm4b:s2+s8] =	stream.indirect.scatter [tilespmem:s7], [sflag:$0x1], $0x80, s3, s8, $0xb8;
	[tilespmem:$0x880] =	vst v63  }
0x18: {  	_ =	swait.ge [sflag:s4], $0x800  }
0x19: {  	s9 =	sadd.s32 $0xFFFFFFFF, s9;
	[sflag:s4] =	ssyncset.done $0x0  }
.LBB2_1:
0x1a: {  	p0 =	sne.s32 s9, $0x1;
	s9 =	sadd.s32 $0xFFFFFFFF, s9;
	[sflag:s4] =	ssyncadd.s32 $0xFFFFF800  }
0x1b: {  	[tilespmem:s3], [sflag:$0x1] =	stream.linear.gather [hbm4b:s5+s3], $0x80, $0x38;
	[tilespmem:$0x880] =	vst v63  }
0x1c: {  	_ =	swait.ge [sflag:s4], $0x80  }
0x1d: {  	[sflag:s4] =	ssyncset.done $0x0  }
0x1e: {  	[sflag:s4] =	ssyncadd.s32 $0xFFFFFF80  }
0x1f: {  	[tilespmem:s7], [sflag:$0x1] =	stream.linear.gather [hbm4b:s6+s3], $0x800, $0x38;
	[tilespmem:$0x880] =	vst v63  }
0x20: {  	_ =	swait.ge [sflag:s4], $0x800  }
0x21: {  	[sflag:s4] =	ssyncset.done $0x0  }
0x22: {  	[sflag:s4] =	ssyncadd.s32 $0xFFFFF800  }
0x23: {  	v1 =	vld [tilespmem:$0x0];
	_ =	sdelay $0x4  }
.Ltmp1:
0x24: {  	v1 =	vadd.s32 v0, v1;
	(pc) =	sbr.rel @p0 .LBB2_1-.Ltmp1, $4  }
0x25: {  	[tilespmem:$0x0] =	vst v1  }
0x26: {  	[hbm4b:s2+s8] =	stream.indirect.scatter [tilespmem:s7], [sflag:$0x1], $0x80, s3, s8, $0xb8;
	[tilespmem:$0x880] =	vst v63  }
0x27: {  	_ =	swait.ge [sflag:s4], $0x800  }
0x28: {  	[sflag:s4] =	ssyncset.done $0x0  }
.LBB2_2:
0x29: {  	[sflag:s4] =	ssyncadd.s32 $0xFFFFF800  }
0x2a: {  	_ =	sfence.sel $0x180000  }
0x2b: {  	[bflag:$0x0] =	sbarrier.arrive $0xFFFF  }
0x2c: {  	p0 =	sne.s32 s0, $0x0;
	_ =	strace $0x90000047  }
0x2d: {  	s0 =	sadd.s32 @!p0 $0x100000, s1;
	[bflag:$0x2] =	sbarrier.arrive $0xFFFF  }
0x2e: {  	[sflag:s0] =	ssyncadd.tile.s32 @!p0 $0x1;
	_ =	shalt  }
.Lfunc_end2:
_tile_overlayer_lowered:
.L_overlay_start_2:
0x2f: {  	(tag) =	ssettag $0x2  }
0x30: {  	s0 =	rddreg [dreg:$0x0];
	s2 =	stileid.u32  }
0x31: {  	s1 =	rddreg [dreg:$0x1];
	p0 =	sne.s32 s2, $0x0  }
0x32: {  	s3 =	rddreg [dreg:$0x2];
	[bflag:$0x3] =	sbarrier.arrive $0xFFFF;
	s2 =	simm.s32 @!p0 $0x1C01  }
0x33: {  	[timem:s3], [sflag:s2] =	dma.local @!p0 [hbm:s0], s1  }
0x34: {  	s0 =	simm.s32 @!p0 $0x1  }
0x35: {  	_ =	swait.ge @!p0 [sflag:s0], s1  }
0x36: {  	s1 =	ssub.s32 @!p0 $0x0, s1;
	[sflag:s0] =	ssyncset.done @!p0 $0x0  }
0x37: {  	[sflag:s0] =	ssyncadd.s32 @!p0 s1  }
0x38: {  	[bflag:$0x3] =	sbarrier.arrive $0xFFFF  }
0x39: {  	_ =	shalt  }

</sc_bundles>
